<compile_context>
chip_gen: v7x
topology: tpu7x:2x2x1
jax: 0.10.2.dev20260603
libtpu: 0.0.44.dev20260713+nightly
codegen_flags: <defaults>
</compile_context>

<pallas_src>
import functools

import jax
import jax.numpy as jnp
from jax.experimental import pallas as pl
from jax.experimental.pallas import tpu as pltpu
from jax.experimental.pallas import tpu_sc as plsc

_TB = 512


def _dist_argmin_body(csq_ref, xt_ref, cbm2_ref, idx_ref, loss_ref):
    K = cbm2_ref.shape[0]
    tb = idx_ref.shape[2]

    xb = xt_ref[0]
    cross2 = jax.lax.dot_general(
        cbm2_ref[...], xb, (((1,), (0,)), ((), ())),
        preferred_element_type=jnp.float32)
    xsq = jnp.sum(xb * xb, axis=0, keepdims=True)
    t = (xsq + csq_ref[...]) + cross2
    tmin = jnp.min(t, axis=0, keepdims=True)
    m2 = jnp.maximum(tmin, 0.0)
    m = jnp.sqrt(m2)
    tt = m * m
    tt_bits = jax.lax.bitcast_convert_type(tt, jnp.int32)
    u = m2
    for off in (-3, -2, -1, 0, 1, 2, 3):
        cand = jax.lax.bitcast_convert_type(tt_bits + off, jnp.float32)
        ok = (jnp.sqrt(cand) == m) & (cand > 0.0)
        u = jnp.where(ok, jnp.maximum(u, cand), u)
    kio = jax.lax.broadcasted_iota(jnp.int32, (K, tb), 0)
    idx = jnp.min(jnp.where(t <= u, kio, K), axis=0, keepdims=True)
    idx_ref[...] = idx.reshape(1, 1, tb)
    loss_ref[0, 0, 0] = jnp.sum(m2)


def _distance_argmin(csq_col, xbchw, cbm2):
    B, C, HW = xbchw.shape
    K = cbm2.shape[0]
    nblk = HW // _TB
    idx3, loss_parts = pl.pallas_call(
        _dist_argmin_body,
        grid=(B, nblk),
        in_specs=[
            pl.BlockSpec((K, 1), lambda b, i: (0, 0)),
            pl.BlockSpec((1, C, _TB), lambda b, i: (b, 0, i)),
            pl.BlockSpec((K, C), lambda b, i: (0, 0)),
        ],
        out_specs=[
            pl.BlockSpec((1, 1, _TB), lambda b, i: (b, 0, i)),
            pl.BlockSpec((1, 1, 1), lambda b, i: (b * nblk + i, 0, 0),
                         memory_space=pltpu.SMEM),
        ],
        out_shape=[
            jax.ShapeDtypeStruct((B, 1, HW), jnp.int32),
            jax.ShapeDtypeStruct((B * nblk, 1, 1), jnp.float32),
        ],
        compiler_params=pltpu.CompilerParams(
            dimension_semantics=("parallel", "parallel")),
    )(csq_col, xbchw, cbm2)
    return idx3.reshape(B * HW), loss_parts


def _sc_gather(table, idx):
    V, D = table.shape
    B = idx.shape[0]
    info = plsc.get_sparse_core_info()
    nw = info.num_cores * info.num_subcores
    bpw = B // nw
    n_chunks = bpw // 128
    mesh = plsc.VectorSubcoreMesh(core_axis_name="c", subcore_axis_name="s")

    @functools.partial(
        pl.kernel, mesh=mesh,
        out_type=jax.ShapeDtypeStruct((B, D), jnp.float32),
        scratch_types=[
            pltpu.VMEM((bpw,), jnp.int32),
            pltpu.VMEM((bpw, D), jnp.float32),
            pltpu.SemaphoreType.DMA,
        ],
    )
    def g(table_hbm, idx_hbm, out_hbm, idx_v, rows_v, sem):
        wid = jax.lax.axis_index("s") * info.num_cores + jax.lax.axis_index("c")
        base = wid * bpw
        pltpu.sync_copy(idx_hbm.at[pl.ds(base, bpw)], idx_v)
        cps = [
            pltpu.async_copy(
                table_hbm.at[idx_v.at[pl.ds(j * 128, 128)]],
                rows_v.at[pl.ds(j * 128, 128)], sem)
            for j in range(n_chunks)
        ]
        for cp in cps:
            cp.wait()
        pltpu.sync_copy(rows_v, out_hbm.at[pl.ds(base, bpw)])

    return g(table, idx)


def kernel(x, codebook):
    B, C, H, W = x.shape
    N = B * H * W
    c_sq = jnp.sum(codebook ** 2, axis=-1)
    cbm2 = -2.0 * codebook

    indices, loss_parts = _distance_argmin(
        c_sq.reshape(-1, 1), x.reshape(B, C, H * W), cbm2)
    cb_pad = jnp.pad(codebook, ((0, 0), (0, 128 - C)))
    quant = _sc_gather(cb_pad, indices)[:, :C]

    loss = jnp.sum(loss_parts) / (N * C)
    quant_out = jnp.transpose(quant.reshape(B, H, W, C), (0, 3, 1, 2))
    min_encoding_indices = indices.reshape(B, H, W)
    return (quant_out, loss, loss, min_encoding_indices)

# --- scband reference (transcript-rebuilt; emitter-appended) ---
"""Pipeline reference for scband-quantize-module2-d-50525995270698 (READ-ONLY COPY).

The authoritative reference and input builder live on the scoring server;
editing this copy changes nothing except your own understanding.
"""

import jax, jax.numpy as jnp
import numpy as np

CODEBOOK_SIZE = 8192
Z_CHANNELS = 64

def setup_inputs(seed: int = 0) -> dict:
    key = jax.random.key(seed)
    k1, k2 = jax.random.split(key)
    x = jax.random.normal(k1, (8, Z_CHANNELS, 32, 32), dtype=jnp.float32)
    codebook = jax.random.normal(k2, (CODEBOOK_SIZE, Z_CHANNELS), dtype=jnp.float32) * 0.02
    return {"x": x, "codebook": codebook}

def reference(x, codebook):
    B, C, H, W = x.shape
    xp = jnp.transpose(x, (0, 2, 3, 1)).reshape(B, H * W, C)
    # cdist (euclidean): ||a-b|| via expansion, sqrt with clamp for numerical safety
    x_sq = jnp.sum(xp ** 2, axis=-1, keepdims=True)                # (B, HW, 1)
    c_sq = jnp.sum(codebook ** 2, axis=-1)[None, None, :]          # (1, 1, K)
    cross = jnp.einsum('btc,kc->btk', xp, codebook)                # (B, HW, K)
    dist = jnp.sqrt(jnp.maximum(x_sq + c_sq - 2.0 * cross, 0.0))
    min_encoding_indices = jnp.argmin(dist, axis=-1)               # (B, HW)
    quant_out = jnp.take(codebook, min_encoding_indices.reshape(-1), axis=0)  # (B*HW, C)
    xf = xp.reshape(-1, C)
    commitment_loss = jnp.mean((jax.lax.stop_gradient(quant_out) - xf) ** 2)
    codebook_loss = jnp.mean((quant_out - jax.lax.stop_gradient(xf)) ** 2)
    # straight-through estimator
    quant_out = xf + jax.lax.stop_gradient(quant_out - xf)
    quant_out = jnp.transpose(quant_out.reshape(B, H, W, C), (0, 3, 1, 2))
    min_encoding_indices = min_encoding_indices.reshape(B, H, W)
    return (quant_out, codebook_loss, commitment_loss, min_encoding_indices)

if __name__ == "__main__":
    import jax
    _d = setup_inputs()
    print(jax.jit(kernel)(*tuple(_d.values())))

</pallas_src>

<mosaic_0001>
#map = affine_map<(d0, d1) -> (0, 0)>
#map1 = affine_map<(d0, d1) -> (0)>
module attributes {stable_mosaic.version = 14 : i64} {
  func.func @g(%arg0: i32, %arg1: i32, %arg2: memref<8192x128xf32, #tpu.memory_space<hbm>>, %arg3: memref<8192xi32, #tpu.memory_space<hbm>>, %arg4: memref<8192x128xf32, #tpu.memory_space<hbm>>, %arg5: memref<256xi32, #tpu.memory_space<vmem>>, %arg6: memref<256x128xf32, #tpu.memory_space<vmem>>, %arg7: memref<!tpu.dma_semaphore, #tpu.memory_space<semaphore_mem>>) attributes {dimension_semantics = [#tpu.dimension_semantics<core_parallel>, #tpu.dimension_semantics<subcore_parallel>], iteration_bounds = array<i64: 2, 16>, scalar_prefetch = 0 : i64, scratch_operands = 3 : i64, tpu.core_type = #tpu.core_type<sc_vector_subcore>, window_params = [{transform_indices = #map}, {transform_indices = #map1}, {transform_indices = #map}]} {
    %mul3A = arith.constant 2 : i32
    %mul3A_0 = arith.muli %arg1, %mul3A : i32
    %add3A = arith.addi %mul3A_0, %arg0 : i32
    %mul3A_1 = arith.constant 256 : i32
    %mul3A_2 = arith.muli %add3A, %mul3A_1 : i32
    "tpu.region"() ({
      %run_scoped3A = tpu.sem_alloc : memref<!tpu.dma_semaphore, #tpu.memory_space<semaphore_mem>>
      %dma_start3A_33 = tpu.memref_slice %arg3[%mul3A_2] : memref<8192xi32, #tpu.memory_space<hbm>> -> memref<256xi32, #tpu.memory_space<hbm>>
      %dma_start3A_34 = tpu.memref_slice %arg3[%mul3A_2] : memref<8192xi32, #tpu.memory_space<hbm>> -> memref<256xi32, #tpu.memory_space<hbm>>
      tpu.enqueue_dma source(%dma_start3A_34 : memref<256xi32, #tpu.memory_space<hbm>>) target(%arg5 : memref<256xi32, #tpu.memory_space<vmem>>) target_semaphore(%run_scoped3A : memref<!tpu.dma_semaphore, #tpu.memory_space<semaphore_mem>>)
      %dma_wait3A_35 = tpu.memref_slice %arg3[%mul3A_2] : memref<8192xi32, #tpu.memory_space<hbm>> -> memref<256xi32, #tpu.memory_space<hbm>>
      %dma_wait3A_36 = tpu.memref_slice %arg3[%mul3A_2] : memref<8192xi32, #tpu.memory_space<hbm>> -> memref<256xi32, #tpu.memory_space<hbm>>
      tpu.wait_dma2 semaphore(%run_scoped3A : memref<!tpu.dma_semaphore, #tpu.memory_space<semaphore_mem>>) src(%dma_wait3A_36 : memref<256xi32, #tpu.memory_space<hbm>>) dst(%arg5 : memref<256xi32, #tpu.memory_space<vmem>>)
      tpu.yield
    }) : () -> ()
    %dma_start3A = arith.constant 0 : i32
    %dma_start3A_3 = arith.constant 0 : i32
    %dma_start3A_4 = tpu.memref_slice %arg6[%dma_start3A, %dma_start3A_3] : memref<256x128xf32, #tpu.memory_space<vmem>> -> memref<128x128xf32, #tpu.memory_space<vmem>>
    %dma_start3A_5 = arith.constant 0 : i32
    %dma_start3A_6 = tpu.memref_slice %arg5[%dma_start3A_5] : memref<256xi32, #tpu.memory_space<vmem>> -> memref<128xi32, #tpu.memory_space<vmem>>
    %dma_start3A_7 = arith.constant 0 : i32
    %dma_start3A_8 = arith.constant 0 : i32
    %dma_start3A_9 = tpu.memref_slice %arg2[%dma_start3A_7, %dma_start3A_8] : memref<8192x128xf32, #tpu.memory_space<hbm>> -> memref<8192x128xf32, #tpu.memory_space<hbm>>
    tpu.enqueue_indirect_dma source(%dma_start3A_9 : memref<8192x128xf32, #tpu.memory_space<hbm>>) target(%dma_start3A_4 : memref<128x128xf32, #tpu.memory_space<vmem>>) offsets(%dma_start3A_6 : memref<128xi32, #tpu.memory_space<vmem>>) semaphore(%arg7 : memref<!tpu.dma_semaphore, #tpu.memory_space<semaphore_mem>>)
    %dma_start3A_10 = arith.constant 128 : i32
    %dma_start3A_11 = arith.constant 0 : i32
    %dma_start3A_12 = tpu.memref_slice %arg6[%dma_start3A_10, %dma_start3A_11] : memref<256x128xf32, #tpu.memory_space<vmem>> -> memref<128x128xf32, #tpu.memory_space<vmem>>
    %dma_start3A_13 = arith.constant 128 : i32
    %dma_start3A_14 = tpu.memref_slice %arg5[%dma_start3A_13] : memref<256xi32, #tpu.memory_space<vmem>> -> memref<128xi32, #tpu.memory_space<vmem>>
    %dma_start3A_15 = arith.constant 0 : i32
    %dma_start3A_16 = arith.constant 0 : i32
    %dma_start3A_17 = tpu.memref_slice %arg2[%dma_start3A_15, %dma_start3A_16] : memref<8192x128xf32, #tpu.memory_space<hbm>> -> memref<8192x128xf32, #tpu.memory_space<hbm>>
    tpu.enqueue_indirect_dma source(%dma_start3A_17 : memref<8192x128xf32, #tpu.memory_space<hbm>>) target(%dma_start3A_12 : memref<128x128xf32, #tpu.memory_space<vmem>>) offsets(%dma_start3A_14 : memref<128xi32, #tpu.memory_space<vmem>>) semaphore(%arg7 : memref<!tpu.dma_semaphore, #tpu.memory_space<semaphore_mem>>)
    %dma_wait3A = arith.constant 0 : i32
    %dma_wait3A_18 = arith.constant 0 : i32
    %dma_wait3A_19 = tpu.memref_slice %arg6[%dma_wait3A, %dma_wait3A_18] : memref<256x128xf32, #tpu.memory_space<vmem>> -> memref<128x128xf32, #tpu.memory_space<vmem>>
    %dma_wait3A_20 = arith.constant 0 : i32
    %dma_wait3A_21 = tpu.memref_slice %arg5[%dma_wait3A_20] : memref<256xi32, #tpu.memory_space<vmem>> -> memref<128xi32, #tpu.memory_space<vmem>>
    %dma_wait3A_22 = arith.constant 0 : i32
    %dma_wait3A_23 = arith.constant 0 : i32
    %dma_wait3A_24 = tpu.memref_slice %arg2[%dma_wait3A_22, %dma_wait3A_23] : memref<8192x128xf32, #tpu.memory_space<hbm>> -> memref<8192x128xf32, #tpu.memory_space<hbm>>
    tpu.wait_indirect_dma semaphore(%arg7 : memref<!tpu.dma_semaphore, #tpu.memory_space<semaphore_mem>>) src(%dma_wait3A_24 : memref<8192x128xf32, #tpu.memory_space<hbm>>) dst(%dma_wait3A_19 : memref<128x128xf32, #tpu.memory_space<vmem>>)
    %dma_wait3A_25 = arith.constant 128 : i32
    %dma_wait3A_26 = arith.constant 0 : i32
    %dma_wait3A_27 = tpu.memref_slice %arg6[%dma_wait3A_25, %dma_wait3A_26] : memref<256x128xf32, #tpu.memory_space<vmem>> -> memref<128x128xf32, #tpu.memory_space<vmem>>
    %dma_wait3A_28 = arith.constant 128 : i32
    %dma_wait3A_29 = tpu.memref_slice %arg5[%dma_wait3A_28] : memref<256xi32, #tpu.memory_space<vmem>> -> memref<128xi32, #tpu.memory_space<vmem>>
    %dma_wait3A_30 = arith.constant 0 : i32
    %dma_wait3A_31 = arith.constant 0 : i32
    %dma_wait3A_32 = tpu.memref_slice %arg2[%dma_wait3A_30, %dma_wait3A_31] : memref<8192x128xf32, #tpu.memory_space<hbm>> -> memref<8192x128xf32, #tpu.memory_space<hbm>>
    tpu.wait_indirect_dma semaphore(%arg7 : memref<!tpu.dma_semaphore, #tpu.memory_space<semaphore_mem>>) src(%dma_wait3A_32 : memref<8192x128xf32, #tpu.memory_space<hbm>>) dst(%dma_wait3A_27 : memref<128x128xf32, #tpu.memory_space<vmem>>)
    "tpu.region"() ({
      %run_scoped3A = tpu.sem_alloc : memref<!tpu.dma_semaphore, #tpu.memory_space<semaphore_mem>>
      %dma_start3A_33 = arith.constant 0 : i32
      %dma_start3A_34 = tpu.memref_slice %arg4[%mul3A_2, %dma_start3A_33] : memref<8192x128xf32, #tpu.memory_space<hbm>> -> memref<256x128xf32, #tpu.memory_space<hbm>>
      %dma_start3A_35 = arith.constant 0 : i32
      %dma_start3A_36 = tpu.memref_slice %arg4[%mul3A_2, %dma_start3A_35] : memref<8192x128xf32, #tpu.memory_space<hbm>> -> memref<256x128xf32, #tpu.memory_space<hbm>>
      tpu.enqueue_dma source(%arg6 : memref<256x128xf32, #tpu.memory_space<vmem>>) target(%dma_start3A_36 : memref<256x128xf32, #tpu.memory_space<hbm>>) target_semaphore(%run_scoped3A : memref<!tpu.dma_semaphore, #tpu.memory_space<semaphore_mem>>)
      %dma_wait3A_37 = arith.constant 0 : i32
      %dma_wait3A_38 = tpu.memref_slice %arg4[%mul3A_2, %dma_wait3A_37] : memref<8192x128xf32, #tpu.memory_space<hbm>> -> memref<256x128xf32, #tpu.memory_space<hbm>>
      %dma_wait3A_39 = arith.constant 0 : i32
      %dma_wait3A_40 = tpu.memref_slice %arg4[%mul3A_2, %dma_wait3A_39] : memref<8192x128xf32, #tpu.memory_space<hbm>> -> memref<256x128xf32, #tpu.memory_space<hbm>>
      tpu.wait_dma2 semaphore(%run_scoped3A : memref<!tpu.dma_semaphore, #tpu.memory_space<semaphore_mem>>) src(%arg6 : memref<256x128xf32, #tpu.memory_space<vmem>>) dst(%dma_wait3A_40 : memref<256x128xf32, #tpu.memory_space<hbm>>)
      tpu.yield
    }) : () -> ()
    return
  }
}

module attributes {stable_mosaic.version = 14 : i64} {
  func.func @_dist_argmin_body(%arg0: i32, %arg1: i32, %arg2: memref<8192x1xf32, #tpu.memory_space<vmem>>, %arg3: memref<1x64x512xf32, #tpu.memory_space<vmem>>, %arg4: memref<8192x64xf32, #tpu.memory_space<vmem>>, %arg5: memref<1x1x512xi32, #tpu.memory_space<vmem>>, %arg6: memref<1x1x1xf32, #tpu.memory_space<smem>>) attributes {dimension_semantics = [#tpu.dimension_semantics<parallel>, #tpu.dimension_semantics<parallel>], iteration_bounds = array<i64: 8, 2>, scalar_prefetch = 0 : i64, scratch_operands = 0 : i64, tpu.core_type = #tpu.core_type<tc>, window_params = [{pipeline_mode = #tpu.pipeline_mode<synchronous>, transform_indices = @transform_0, window_bounds = array<i64: 8192, 1>}, {transform_indices = @transform_1, window_bounds = array<i64: 1, 64, 512>}, {pipeline_mode = #tpu.pipeline_mode<synchronous>, transform_indices = @transform_2, window_bounds = array<i64: 8192, 64>}, {transform_indices = @transform_3, window_bounds = array<i64: 1, 1, 512>}, {transform_indices = @transform_4, window_bounds = array<i64: 1, 1, 1>}]} {
    %get3A = arith.constant 0 : index
    %get3A_0 = arith.constant 0 : index
    %get3A_1 = arith.constant 0 : index
    %get3A_2 = vector.load %arg3[%get3A, %get3A_0, %get3A_1] : memref<1x64x512xf32, #tpu.memory_space<vmem>>, vector<1x64x512xf32>
    %get3A_3 = vector.shape_cast %get3A_2 : vector<1x64x512xf32> to vector<64x512xf32>
    %get3A_4 = arith.constant 0 : index
    %get3A_5 = arith.constant 0 : index
    %get3A_6 = vector.load %arg4[%get3A_4, %get3A_5] : memref<8192x64xf32, #tpu.memory_space<vmem>>, vector<8192x64xf32>
    %dot_general3A = arith.constant dense<0.000000e+00> : vector<8192x512xf32>
    %dot_general3A_7 = tpu.matmul %get3A_6, %get3A_3, %dot_general3A {dimension_numbers = #tpu.dot_dimension_numbers<[1], [0], [0], [1], [0, 0, 1, 1], [], []>, transpose_lhs_hint = false} : vector<8192x64xf32>, vector<64x512xf32>, vector<8192x512xf32> -> vector<8192x512xf32>
    %mul3A = arith.mulf %get3A_3, %get3A_3 : vector<64x512xf32>
    %reduce_sum3A = arith.constant dense<0.000000e+00> : vector<512xf32>
    %reduce_sum3A_8 = vector.multi_reduction <add>, %mul3A, %reduce_sum3A [0] : vector<64x512xf32> to vector<512xf32>
    %broadcast_in_dim3A = vector.shape_cast %reduce_sum3A_8 : vector<512xf32> to vector<1x512xf32>
    %get3A_9 = arith.constant 0 : index
    %get3A_10 = arith.constant 0 : index
    %get3A_11 = vector.load %arg2[%get3A_9, %get3A_10] : memref<8192x1xf32, #tpu.memory_space<vmem>>, vector<8192x1xf32>
    %add3A = vector.broadcast %broadcast_in_dim3A : vector<1x512xf32> to vector<8192x512xf32>
    %add3A_12 = vector.broadcast %get3A_11 : vector<8192x1xf32> to vector<8192x512xf32>
    %add3A_13 = arith.addf %add3A, %add3A_12 : vector<8192x512xf32>
    %add3A_14 = arith.addf %add3A_13, %dot_general3A_7 : vector<8192x512xf32>
    %reduce_min3A = arith.constant dense<0x7F800000> : vector<512xf32>
    %reduce_min3A_15 = vector.multi_reduction <minimumf>, %add3A_14, %reduce_min3A [0] : vector<8192x512xf32> to vector<512xf32>
    %broadcast_in_dim3A_16 = vector.shape_cast %reduce_min3A_15 : vector<512xf32> to vector<1x512xf32>
    %max3A = arith.constant 0.000000e+00 : f32
    %max3A_17 = vector.broadcast %max3A : f32 to vector<1x512xf32>
    %max3A_18 = arith.maximumf %broadcast_in_dim3A_16, %max3A_17 : vector<1x512xf32>
    %sqrt3A = math.sqrt %max3A_18 : vector<1x512xf32>
    %mul3A_19 = arith.mulf %sqrt3A, %sqrt3A : vector<1x512xf32>
    %bitcast_convert_type3A = tpu.bitcast %mul3A_19 : vector<1x512xf32> -> vector<1x512xi32>
    %add3A_20 = arith.constant -3 : i32
    %add3A_21 = vector.broadcast %add3A_20 : i32 to vector<1x512xi32>
    %add3A_22 = arith.addi %bitcast_convert_type3A, %add3A_21 : vector<1x512xi32>
    %bitcast_convert_type3A_23 = tpu.bitcast %add3A_22 : vector<1x512xi32> -> vector<1x512xf32>
    %sqrt3A_24 = math.sqrt %bitcast_convert_type3A_23 : vector<1x512xf32>
    %eq3A = arith.cmpf oeq, %sqrt3A_24, %sqrt3A : vector<1x512xf32>
    %gt3A = arith.constant 0.000000e+00 : f32
    %gt3A_25 = vector.broadcast %gt3A : f32 to vector<1x512xf32>
    %gt3A_26 = arith.cmpf ogt, %bitcast_convert_type3A_23, %gt3A_25 : vector<1x512xf32>
    %and3A = arith.andi %eq3A, %gt3A_26 : vector<1x512xi1>
    %max3A_27 = arith.maximumf %max3A_18, %bitcast_convert_type3A_23 : vector<1x512xf32>
    %select_n3A = arith.select %and3A, %max3A_27, %max3A_18 : vector<1x512xi1>, vector<1x512xf32>
    %add3A_28 = arith.constant -2 : i32
    %add3A_29 = vector.broadcast %add3A_28 : i32 to vector<1x512xi32>
    %add3A_30 = arith.addi %bitcast_convert_type3A, %add3A_29 : vector<1x512xi32>
    %bitcast_convert_type3A_31 = tpu.bitcast %add3A_30 : vector<1x512xi32> -> vector<1x512xf32>
    %sqrt3A_32 = math.sqrt %bitcast_convert_type3A_31 : vector<1x512xf32>
    %eq3A_33 = arith.cmpf oeq, %sqrt3A_32, %sqrt3A : vector<1x512xf32>
    %gt3A_34 = arith.constant 0.000000e+00 : f32
    %gt3A_35 = vector.broadcast %gt3A_34 : f32 to vector<1x512xf32>
    %gt3A_36 = arith.cmpf ogt, %bitcast_convert_type3A_31, %gt3A_35 : vector<1x512xf32>
    %and3A_37 = arith.andi %eq3A_33, %gt3A_36 : vector<1x512xi1>
    %max3A_38 = arith.maximumf %select_n3A, %bitcast_convert_type3A_31 : vector<1x512xf32>
    %select_n3A_39 = arith.select %and3A_37, %max3A_38, %select_n3A : vector<1x512xi1>, vector<1x512xf32>
    %add3A_40 = arith.constant -1 : i32
    %add3A_41 = vector.broadcast %add3A_40 : i32 to vector<1x512xi32>
    %add3A_42 = arith.addi %bitcast_convert_type3A, %add3A_41 : vector<1x512xi32>
    %bitcast_convert_type3A_43 = tpu.bitcast %add3A_42 : vector<1x512xi32> -> vector<1x512xf32>
    %sqrt3A_44 = math.sqrt %bitcast_convert_type3A_43 : vector<1x512xf32>
    %eq3A_45 = arith.cmpf oeq, %sqrt3A_44, %sqrt3A : vector<1x512xf32>
    %gt3A_46 = arith.constant 0.000000e+00 : f32
    %gt3A_47 = vector.broadcast %gt3A_46 : f32 to vector<1x512xf32>
    %gt3A_48 = arith.cmpf ogt, %bitcast_convert_type3A_43, %gt3A_47 : vector<1x512xf32>
    %and3A_49 = arith.andi %eq3A_45, %gt3A_48 : vector<1x512xi1>
    %max3A_50 = arith.maximumf %select_n3A_39, %bitcast_convert_type3A_43 : vector<1x512xf32>
    %select_n3A_51 = arith.select %and3A_49, %max3A_50, %select_n3A_39 : vector<1x512xi1>, vector<1x512xf32>
    %add3A_52 = arith.constant 0 : i32
    %add3A_53 = vector.broadcast %add3A_52 : i32 to vector<1x512xi32>
    %add3A_54 = arith.addi %bitcast_convert_type3A, %add3A_53 : vector<1x512xi32>
    %bitcast_convert_type3A_55 = tpu.bitcast %add3A_54 : vector<1x512xi32> -> vector<1x512xf32>
    %sqrt3A_56 = math.sqrt %bitcast_convert_type3A_55 : vector<1x512xf32>
    %eq3A_57 = arith.cmpf oeq, %sqrt3A_56, %sqrt3A : vector<1x512xf32>
    %gt3A_58 = arith.constant 0.000000e+00 : f32
    %gt3A_59 = vector.broadcast %gt3A_58 : f32 to vector<1x512xf32>
    %gt3A_60 = arith.cmpf ogt, %bitcast_convert_type3A_55, %gt3A_59 : vector<1x512xf32>
    %and3A_61 = arith.andi %eq3A_57, %gt3A_60 : vector<1x512xi1>
    %max3A_62 = arith.maximumf %select_n3A_51, %bitcast_convert_type3A_55 : vector<1x512xf32>
    %select_n3A_63 = arith.select %and3A_61, %max3A_62, %select_n3A_51 : vector<1x512xi1>, vector<1x512xf32>
    %add3A_64 = arith.constant 1 : i32
    %add3A_65 = vector.broadcast %add3A_64 : i32 to vector<1x512xi32>
    %add3A_66 = arith.addi %bitcast_convert_type3A, %add3A_65 : vector<1x512xi32>
    %bitcast_convert_type3A_67 = tpu.bitcast %add3A_66 : vector<1x512xi32> -> vector<1x512xf32>
    %sqrt3A_68 = math.sqrt %bitcast_convert_type3A_67 : vector<1x512xf32>
    %eq3A_69 = arith.cmpf oeq, %sqrt3A_68, %sqrt3A : vector<1x512xf32>
    %gt3A_70 = arith.constant 0.000000e+00 : f32
    %gt3A_71 = vector.broadcast %gt3A_70 : f32 to vector<1x512xf32>
    %gt3A_72 = arith.cmpf ogt, %bitcast_convert_type3A_67, %gt3A_71 : vector<1x512xf32>
    %and3A_73 = arith.andi %eq3A_69, %gt3A_72 : vector<1x512xi1>
    %max3A_74 = arith.maximumf %select_n3A_63, %bitcast_convert_type3A_67 : vector<1x512xf32>
    %select_n3A_75 = arith.select %and3A_73, %max3A_74, %select_n3A_63 : vector<1x512xi1>, vector<1x512xf32>
    %add3A_76 = arith.constant 2 : i32
    %add3A_77 = vector.broadcast %add3A_76 : i32 to vector<1x512xi32>
    %add3A_78 = arith.addi %bitcast_convert_type3A, %add3A_77 : vector<1x512xi32>
    %bitcast_convert_type3A_79 = tpu.bitcast %add3A_78 : vector<1x512xi32> -> vector<1x512xf32>
    %sqrt3A_80 = math.sqrt %bitcast_convert_type3A_79 : vector<1x512xf32>
    %eq3A_81 = arith.cmpf oeq, %sqrt3A_80, %sqrt3A : vector<1x512xf32>
    %gt3A_82 = arith.constant 0.000000e+00 : f32
    %gt3A_83 = vector.broadcast %gt3A_82 : f32 to vector<1x512xf32>
    %gt3A_84 = arith.cmpf ogt, %bitcast_convert_type3A_79, %gt3A_83 : vector<1x512xf32>
    %and3A_85 = arith.andi %eq3A_81, %gt3A_84 : vector<1x512xi1>
    %max3A_86 = arith.maximumf %select_n3A_75, %bitcast_convert_type3A_79 : vector<1x512xf32>
    %select_n3A_87 = arith.select %and3A_85, %max3A_86, %select_n3A_75 : vector<1x512xi1>, vector<1x512xf32>
    %add3A_88 = arith.constant 3 : i32
    %add3A_89 = vector.broadcast %add3A_88 : i32 to vector<1x512xi32>
    %add3A_90 = arith.addi %bitcast_convert_type3A, %add3A_89 : vector<1x512xi32>
    %bitcast_convert_type3A_91 = tpu.bitcast %add3A_90 : vector<1x512xi32> -> vector<1x512xf32>
    %sqrt3A_92 = math.sqrt %bitcast_convert_type3A_91 : vector<1x512xf32>
    %eq3A_93 = arith.cmpf oeq, %sqrt3A_92, %sqrt3A : vector<1x512xf32>
    %gt3A_94 = arith.constant 0.000000e+00 : f32
    %gt3A_95 = vector.broadcast %gt3A_94 : f32 to vector<1x512xf32>
    %gt3A_96 = arith.cmpf ogt, %bitcast_convert_type3A_91, %gt3A_95 : vector<1x512xf32>
    %and3A_97 = arith.andi %eq3A_93, %gt3A_96 : vector<1x512xi1>
    %max3A_98 = arith.maximumf %select_n3A_87, %bitcast_convert_type3A_91 : vector<1x512xf32>
    %select_n3A_99 = arith.select %and3A_97, %max3A_98, %select_n3A_87 : vector<1x512xi1>, vector<1x512xf32>
    %iota3A = tpu.iota {dimensions = array<i32: 0>} : vector<8192x512xi32>
    %le3A = vector.broadcast %select_n3A_99 : vector<1x512xf32> to vector<8192x512xf32>
    %le3A_100 = arith.cmpf ole, %add3A_14, %le3A : vector<8192x512xf32>
    %jit3A = arith.constant 8192 : i32
    %broadcast_in_dim3A_101 = vector.broadcast %jit3A : i32 to vector<8192x512xi32>
    %select_n3A_102 = arith.select %le3A_100, %iota3A, %broadcast_in_dim3A_101 : vector<8192x512xi1>, vector<8192x512xi32>
    %reduce_min3A_103 = arith.constant dense<2147483647> : vector<512xi32>
    %reduce_min3A_104 = vector.multi_reduction <minsi>, %select_n3A_102, %reduce_min3A_103 [0] : vector<8192x512xi32> to vector<512xi32>
    %broadcast_in_dim3A_105 = vector.shape_cast %reduce_min3A_104 : vector<512xi32> to vector<1x512xi32>
    %reshape3A = vector.shape_cast %broadcast_in_dim3A_105 : vector<1x512xi32> to vector<1x1x512xi32>
    %swap3A = arith.constant 0 : index
    %swap3A_106 = arith.constant 0 : index
    %swap3A_107 = arith.constant 0 : index
    %swap3A_108 = vector.load %arg5[%swap3A, %swap3A_106, %swap3A_107] : memref<1x1x512xi32, #tpu.memory_space<vmem>>, vector<1x1x512xi32>
    tpu.vector_store %arg5[%swap3A, %swap3A_106, %swap3A_107], %reshape3A {strides = array<i32>} : memref<1x1x512xi32, #tpu.memory_space<vmem>>, vector<1x1x512xi32>,
    %reduce_sum3A_109 = vector.shape_cast %max3A_18 : vector<1x512xf32> to vector<1x1x512xf32>
    %reduce_sum3A_110 = arith.constant dense<0.000000e+00> : vector<1xf32>
    %reduce_sum3A_111 = vector.multi_reduction <add>, %reduce_sum3A_109, %reduce_sum3A_110 [1, 2] : vector<1x1x512xf32> to vector<1xf32>
    %reduce_sum3A_112 = vector.shape_cast %reduce_sum3A_111 : vector<1xf32> to vector<1x1x1xf32>
    %reduce_sum3A_113 = vector.extract %reduce_sum3A_112[0, 0, 0] : f32 from vector<1x1x1xf32>
    %swap3A_114 = arith.constant 0 : index
    %swap3A_115 = arith.constant 0 : index
    %swap3A_116 = arith.constant 0 : index
    %swap3A_117 = memref.load %arg6[%swap3A_114, %swap3A_115, %swap3A_116] : memref<1x1x1xf32, #tpu.memory_space<smem>>
    memref.store %reduce_sum3A_113, %arg6[%swap3A_114, %swap3A_115, %swap3A_116] : memref<1x1x1xf32, #tpu.memory_space<smem>>
    return
  }
  func.func @transform_0(%arg0: i32, %arg1: i32) -> (i32, i32) {
    %c0_i32 = arith.constant 0 : i32
    %c0_i32_0 = arith.constant 0 : i32
    %c0_i32_1 = arith.constant 0 : i32
    return %c0_i32, %c0_i32_0 : i32, i32
  }
  func.func @transform_1(%arg0: i32, %arg1: i32) -> (i32, i32, i32) {
    %c0_i32 = arith.constant 0 : i32
    %c0_i32_0 = arith.constant 0 : i32
    return %arg0, %c0_i32, %arg1 : i32, i32, i32
  }
  func.func @transform_2(%arg0: i32, %arg1: i32) -> (i32, i32) {
    %c0_i32 = arith.constant 0 : i32
    %c0_i32_0 = arith.constant 0 : i32
    %c0_i32_1 = arith.constant 0 : i32
    return %c0_i32, %c0_i32_0 : i32, i32
  }
  func.func @transform_3(%arg0: i32, %arg1: i32) -> (i32, i32, i32) {
    %c0_i32 = arith.constant 0 : i32
    %c0_i32_0 = arith.constant 0 : i32
    return %arg0, %c0_i32, %arg1 : i32, i32, i32
  }
  func.func @transform_4(%arg0: i32, %arg1: i32) -> (i32, i32, i32) {
    %mul3A = arith.constant 2 : i32
    %mul3A_0 = arith.muli %arg0, %mul3A : i32
    %add3A = arith.addi %mul3A_0, %arg1 : i32
    %c0_i32 = arith.constant 0 : i32
    %c0_i32_1 = arith.constant 0 : i32
    %c0_i32_2 = arith.constant 0 : i32
    return %add3A, %c0_i32, %c0_i32_1 : i32, i32, i32
  }
}

</mosaic_0001>

<sc_bundles>
// kernel: kernel.4.cloned.1.call-start
scs
__scs_entry_jumppad:
0x0: {  	(pc) =	sbr.rel $0x88, $3  }
0x1: {  	(tag) =	ssettag $0x0;
	lr =	simm.s32 $0x1  }
0x2: {  	[smem:$0x3F9F] =	sst lr;
	_ =	strace $0xD0000000  }
0x3: {  	_ = 	snop  }
0x4: {  	_ = 	snop  }
0x5: {  	_ = 	snop  }
0x6: {  	_ = 	snop  }
0x7: {  	_ = 	snop  }
__scs_overlays_trampoline_lowered:
0x8: {  	[smem:$0x3FAE] =	sst s0  }
0x9: {  	[smem:$0x3FAF] =	sst s1  }
0xa: {  	[smem:$0x3FB0] =	sst s2  }
0xb: {  	[smem:$0x3FB1] =	sst s3  }
0xc: {  	[smem:$0x3FB2] =	sst s4  }
0xd: {  	[smem:$0x3FB3] =	sst s5  }
0xe: {  	[smem:$0x3FB4] =	sst s6  }
0xf: {  	[smem:$0x3FB5] =	sst s7  }
0x10: {  	[smem:$0x3FB6] =	sst s8  }
0x11: {  	[smem:$0x3FB7] =	sst s9;
	s0 =	simm.s32 @!p0 $0x0  }
0x12: {  	s1 =	sld [smem:$0x3F9D];
	s0 =	simm.s32 @p0 $0x1  }
0x13: {  	[smem:$0x3FB8] =	sst s0;
	s0 =	simm.s32 @!p1 $0x0  }
0x14: {  	s2 =	sld [smem:$0x3F9C];
	s0 =	simm.s32 @p1 $0x1  }
0x15: {  	[smem:$0x3FB9] =	sst s0;
	s0 =	simm.s32 @!p2 $0x0  }
0x16: {  	s3 =	sld [smem:$0x3FDB];
	s0 =	simm.s32 @p2 $0x1  }
0x17: {  	s4 =	simm.s32 $0x1BF5;
	[smem:$0x3FBB] =	sst s0  }
0x18: {  	s0 =	sld [smem:$0x3F9E];
	_ =	swait.ge [sflag:s4], $0x0  }
0x19: {  	s7 =	sld [smem:$0x3F9F]  }
0x1a: {  	s8 =	sadd.s32 $0xFFFFE003, lr  }
0x1b: {  	s9 =	sadd.s32 $0xFFFFFEF7, lr;
	s5 =	simm.s32 $0xFFFFFFFF;
	p2 =	slt.u32 s8, $0xFFFFF086  }
0x1c: {  	p1 =	slt.u32 s9, $0xF7A;
	s5 =	simm.s32 @!p2 $0x0  }
0x1d: {  	s5 =	simm.s32 @p1 $0x1;
	p0 =	seq.s32 s7, s2  }
0x1e: {  	s7 =	smul.u32 @!p0 $0xF7A, s2;
	p2 =	seq.s32 @!p0 s5, $0x0  }
0x1f: {  	s9 =	smul.u32 $0xF7A, s1;
	s8 =	simm.s32 @!p0 $0x1BF5;
	p2 =	por !p2, p0  }
0x20: {  	[sflag:s8] =	ssyncset.s32 @!p0 $0xFFFFF086;
	s6 =	sadd.s32 @!p0 s3, s7;
	s7 =	simm.s32 @!p0 $0x108  }
0x21: {  	s3 =	sadd.s32 s3, s9;
	s6 =	sadd.s32 @!p0 $0x88, s6;
	s7 =	simm.s32 @p2 $0x1082  }
0x22: {  	[simem:s7], [sflag:s8] =	dma.local @!p0 [hbm:s6], $0xF7A  }
0x23: {  	s9 =	sor.u32 $0xD0000000, s2;
	s6 =	simm.s32 $0x108;
	_ =	swait.ge @!p0 [sflag:s8], $0x0  }
0x24: {  	s3 =	sadd.s32 $0x88, s3;
	s6 =	simm.s32 @!p1 $0x1082;
	[sflag:s4] =	ssyncset.s32 $0xFFFFF086  }
0x25: {  	[simem:s6], [sflag:s4] =	dma.local [hbm:s3], $0xF7A  }
0x26: {  	[smem:$0x3F9F] =	sst s1;
	(tag) =	ssettag s2;
	_ =	strace s9  }
0x27: {  	s1 =	sld [smem:$0x3FAF]  }
0x28: {  	s2 =	sld [smem:$0x3FB0]  }
0x29: {  	s4 =	sld [smem:$0x3FB2]  }
0x2a: {  	p0 =	seq.s32 s5, $0x0;
	s5 =	sld [smem:$0x3FB3]  }
0x2b: {  	s6 =	sld [smem:$0x3FB4]  }
0x2c: {  	s7 =	sld [smem:$0x3FB5]  }
0x2d: {  	s3 =	simm.s32 $0x108;
	s8 =	sld [smem:$0x3FB6]  }
0x2e: {  	s3 =	simm.s32 @!p0 $0x1082;
	s9 =	sld [smem:$0x3FB7]  }
0x2f: {  	lr =	sadd.s32 s0, s3;
	s0 =	sld [smem:$0x3FAE]  }
0x30: {  	s3 =	sld [smem:$0x3FB1]  }
0x31: {  	[smem:$0x3FBA] =	sst s10  }
0x32: {  	s10 =	sld [smem:$0x3FB8];
	_ =	sdelay $0x3  }
0x33: {  	p0 =	seq.s32 s10, $0x1;
	s10 =	sld [smem:$0x3FBA];
	_ =	sdelay $0x3  }
0x34: {  	[smem:$0x3FBA] =	sst s10  }
0x35: {  	s10 =	sld [smem:$0x3FB9];
	_ =	sdelay $0x3  }
0x36: {  	p1 =	seq.s32 s10, $0x1;
	s10 =	sld [smem:$0x3FBA];
	_ =	sdelay $0x3  }
0x37: {  	[smem:$0x3FBA] =	sst s10  }
0x38: {  	s10 =	sld [smem:$0x3FBB]  }
0x39: {  	_ = 	snop;
	(pc) =	sbr.ind lr, $3  }
0x3a: {  	_ = 	snop  }
0x3b: {  	_ = 	snop  }
0x3c: {  	p2 =	seq.s32 s10, $0x1;
	s10 =	sld [smem:$0x3FBA]  }
0x3d: {  	_ =	shalt  }
0x3e: {  	_ =	shalt  }
0x3f: {  	_ =	shalt  }
0x40: {  	_ =	shalt  }
0x41: {  	_ =	shalt  }
0x42: {  	_ =	shalt  }
0x43: {  	_ =	shalt  }
0x44: {  	_ =	shalt  }
0x45: {  	_ =	shalt  }
0x46: {  	_ =	shalt  }
0x47: {  	_ =	shalt  }
0x48: {  	_ =	shalt  }
0x49: {  	_ =	shalt  }
0x4a: {  	_ =	shalt  }
0x4b: {  	_ =	shalt  }
0x4c: {  	_ =	shalt  }
0x4d: {  	_ =	shalt  }
0x4e: {  	_ =	shalt  }
0x4f: {  	_ =	shalt  }
0x50: {  	_ =	shalt  }
0x51: {  	_ =	shalt  }
0x52: {  	_ =	shalt  }
0x53: {  	_ =	shalt  }
0x54: {  	_ =	shalt  }
0x55: {  	_ =	shalt  }
0x56: {  	_ =	shalt  }
0x57: {  	_ =	shalt  }
0x58: {  	_ =	shalt  }
0x59: {  	_ =	shalt  }
0x5a: {  	_ =	shalt  }
0x5b: {  	_ =	shalt  }
0x5c: {  	_ =	shalt  }
0x5d: {  	_ =	shalt  }
0x5e: {  	_ =	shalt  }
0x5f: {  	_ =	shalt  }
0x60: {  	_ =	shalt  }
0x61: {  	_ =	shalt  }
0x62: {  	_ =	shalt  }
0x63: {  	_ =	shalt  }
0x64: {  	_ =	shalt  }
0x65: {  	_ =	shalt  }
0x66: {  	_ =	shalt  }
0x67: {  	_ =	shalt  }
0x68: {  	_ =	shalt  }
0x69: {  	_ =	shalt  }
0x6a: {  	_ =	shalt  }
0x6b: {  	_ =	shalt  }
0x6c: {  	_ =	shalt  }
0x6d: {  	_ =	shalt  }
0x6e: {  	_ =	shalt  }
0x6f: {  	_ =	shalt  }
0x70: {  	_ =	shalt  }
0x71: {  	_ =	shalt  }
0x72: {  	_ =	shalt  }
0x73: {  	_ =	shalt  }
0x74: {  	_ =	shalt  }
0x75: {  	_ =	shalt  }
0x76: {  	_ =	shalt  }
0x77: {  	_ =	shalt  }
0x78: {  	_ =	shalt  }
0x79: {  	_ =	shalt  }
0x7a: {  	_ =	shalt  }
0x7b: {  	_ =	shalt  }
0x7c: {  	_ =	shalt  }
0x7d: {  	_ =	shalt  }
0x7e: {  	_ =	shalt  }
0x7f: {  	_ =	shalt  }
0x80: {  	_ =	shalt  }
0x81: {  	_ =	shalt  }
0x82: {  	_ =	shalt  }
0x83: {  	_ =	shalt  }
0x84: {  	_ =	shalt  }
0x85: {  	_ =	shalt  }
0x86: {  	_ =	shalt  }
0x87: {  	_ =	shalt  }
.Lfunc_end0:
.L_simem_size_0:
called_computation_lowered:
.L_overlay_start_0:
0x88: {  	s2 =	sld [smem:$0x3FD9]  }
0x89: {  	s3 =	sld [smem:$0x3FFE];
	_ =	sdelay $0x1  }
0x8a: {  	s1 =	srdreg.scid  }
0x8b: {  	s0 =	sand.u32 $0x1, s1  }
0x8c: {  	s14 =	sshll.u32 s0, $0xA;
	s2 =	sadd.s32 s3, s2  }
0x8d: {  	s2 =	sadd.s32 s2, s14  }
0x8e: {  	[smem:$0x3FC6] =	sst s2  }
0x8f: {  	_ = 	snop  }
0x90: {  	s2 =	sld [smem:$0x3FD0];
	_ =	sdelay $0x2  }
0x91: {  	s15 =	simm.s32 $0xA;
	s4 =	simm.s32 $0x10  }
0x92: {  	[smem:s4], [sflag:s15] =	dma.local [hbm:s2], $0x1  }
0x93: {  	_ =	swait.eq [sflag:s15], $0x1  }
0x94: {  	[sflag:s15] =	ssyncset.done $0x0  }
0x95: {  	[sflag:s15] =	ssyncadd.s32 $0xFFFFFFFF  }
0x96: {  	s16 =	sld [smem:$0x10];
	(tm) =	ssettm $0x1  }
0x97: {  	s17 =	sld [smem:$0x3FFB];
	_ =	sdelay $0x3  }
0x98: {  	_ =	strace s17  }
0x99: {  	s3 =	sld [smem:$0x3FFC];
	_ =	sdelay $0x3  }
0x9a: {  	_ =	strace s3  }
0x9b: {  	s3 =	sld [smem:$0x3FFD];
	_ =	sdelay $0x3  }
0x9c: {  	_ =	strace s3  }
0x9d: {  	_ =	strace $0x8FFFFFFF  }
0x9e: {  	s18 =	sld [smem:$0x3FDB];
	_ =	sdelay $0x1  }
0x9f: {  	s19 =	simm.s32 $_scs_section_size  }
0xa0: {  	s5 =	simm.s32 $_size__tile_overlayer_lowered;
	s6 =	simm.s32 $_tile_overlayer_lowered  }
0xa1: {  	s22 =	simm.s32 $0x1BFF;
	s21 =	sshll.u32 s6, $0x1;
	s3 =	sadd.s32 s19, s18  }
0xa2: {  	s7 =	simm.s32 $0x0;
	s20 =	sshll.u32 s5, $0x1;
	s5 =	sadd.s32 s21, s3  }
0xa3: {  	[timem:s7], [sflag:s22] =	dma.local [hbm:s5], s20  }
0xa4: {  	_ =	swait.ge [sflag:s22], s20  }
0xa5: {  	s4 =	ssub.s32 $0x0, s20;
	[sflag:s22] =	ssyncset.done $0x0  }
0xa6: {  	[sflag:s22] =	ssyncadd.s32 s4;
	_ =	sdelay $0x1  }
0xa7: {  	s23 =	simm.s32 $0x1B8B  }
0xa8: {  	_ =	swait.ge [sflag:s23], $0x1  }
0xa9: {  	[sflag:s23] =	ssyncset.done $0x0  }
0xaa: {  	s25 =	simm.s32 $0x1B8E;
	s24 =	sld [smem:$0x3FFE];
	[sflag:s23] =	ssyncadd.s32 $0xFFFFFFFF  }
0xab: {  	s26 =	simm.s32 $execute0_lowered;
	[smem:$0x3FD2] =	sst s25  }
0xac: {  	s5 =	sshll.u32 s26, $0x1;
	_ =	strace $0x80000046;
	[dreg:$0x1] =	wrdreg $0xFFFFFFFF  }
0xad: {  	s28 =	simm.s32 $_size_execute0_lowered;
	s3 =	sadd.s32 s3, s5;
	[dreg:$0x0] =	wrdreg $0x0  }
0xae: {  	s5 =	sshll.u32 s28, $0x1;
	[dreg:$0x2] =	wrdreg s3  }
0xaf: {  	[dreg:$0x3] =	wrdreg s5  }
0xb0: {  	[dreg:$0x4] =	wrdreg $0xC0  }
0xb1: {  	_ =	task [dreg:s7], $0x5FFFF  }
0xb2: {  	[dreg:$0x1] =	wrdreg $0xFFFFFFFF  }
0xb3: {  	[dreg:$0x0] =	wrdreg $0x60  }
0xb4: {  	[dreg:$0x2] =	wrdreg s24  }
0xb5: {  	[dreg:$0x3] =	wrdreg s16  }
0xb6: {  	[dreg:$0x4] =	wrdreg $0x9  }
0xb7: {  	_ =	task.clear_ibuf [dreg:s7], $0x5FFFF;
	_ =	strace $0x90000046  }
0xb8: {  	s29 =	simm.s32 $0x9;
	_ =	strace $0x80000048  }
0xb9: {  	_ =	swait.ge [sflag:s29], $0x1  }
0xba: {  	[sflag:s29] =	ssyncadd.s32 $0xFFFFFFFF  }
0xbb: {  	_ =	strace $0x90000048  }
0xbc: {  	_ =	sfence  }
0xbd: {  	s30 =	sld [smem:$0x0];
	_ =	sdelay $0x2  }
0xbe: {  	s31 =	sshll.u32 s1, $0xD;
	s1 =	sshrl.u32 s1, $0x2  }
0xbf: {  	s3 =	sand.u32 $0x4000, s31;
	s1 =	sadd.s32 s1, s30  }
0xc0: {  	s0 =	sor.u32 s3, s0;
	s1 =	sshll.u32 s1, $0x11  }
0xc1: {  	s0 =	sor.u32 s1, s0  }
0xc2: {  	s0 =	sadd.s32 $0x8F2B, s0  }
0xc3: {  	[sflag:s0] =	ssyncadd.remote.s32 $0x1  }
0xc4: {  	_ =	sfence.sel $0xFFFF  }
0xc5: {  	[dreg:$0x0] =	wrdreg $0xFFFFFFFF;
	(pc) =	sbr.abs _section_cstart, $3  }
0xc6: {  	[dreg:$0x1] =	wrdreg $0xFFFFFFFF  }
0xc7: {  	_ =	task.clear_ibuf [dreg:s7], $0x2FFFF;
	_ =	strace $0x9FFFFFFF  }
0xc8: {  	(tm) =	ssettm $0x7FFFFFFF  }
0xc9: {  	_ =	shalt  }
tec
execute0_lowered:
.L_overlay_start_1:
0x0: {  	(tag) =	ssettag $0x1  }
0x1: {  	s1 =	srdreg.scid  }
0x2: {  	s0 =	stileid.u32;
	s10 =	sand.u32 $0x1, s1  }
0x3: {  	s2 =	rddreg [dreg:$0x0];
	s29 =	sshll.u32 s0, $0x9;
	s3 =	sshll.u32 s10, $0x8  }
0x4: {  	s11 =	rddreg [dreg:$0x1];
	s12 =	sor.u32 s3, s29  }
0x5: {  	s1 =	rddreg [dreg:$0x2];
	s3 =	simm.s32 $0x0;
	s4 =	sshrl.u32 s12, $0x3  }
0x6: {  	[smem:$0x7FF] =	sst s3;
	s4 =	sadd.s32 s4, s2  }
0x7: {  	_ =	strace $0x80000047;
	s5 =	sadd.s32 $0x20000, s4;
	s4 =	simm.s32 $0x2  }
0x8: {  	[tilespmem:s3], [sflag:$0x2] =	stream.linear.gather [hbm4b:s5+s3], $0x100, $0x38;
	[tilespmem:$0x8100] =	vst v63  }
0x9: {  	_ =	swait.ge [sflag:s4], $0x100  }
0xa: {  	[sflag:s4] =	ssyncset.done $0x0  }
0xb: {  	s6 =	simm.s32 $0x80;
	s7 =	simm.s32 $0x100;
	[sflag:s4] =	ssyncadd.s32 $0xFFFFFF00  }
0xc: {  	[tilespmem:s7], [sflag:$0x1] =	stream.indirect.gather [hbm4b:s2+s6], $0x80, s3, s6, $0xb8;
	[tilespmem:$0x8100] =	vst v63  }
0xd: {  	s8 =	simm.s32 $0x4100;
	s9 =	simm.s32 $0x1;
	s10 =	ssub.s32 $0x2, s10  }
0xe: {  	[tilespmem:s8], [sflag:$0x1] =	stream.indirect.gather [hbm4b:s2+s6], $0x80, s6, s6, $0xb8;
	[tilespmem:$0x8100] =	vst v63  }
0xf: {  	s13 =	sshrl.u32 s10, $0x1;
	_ =	swait.ge [sflag:s9], $0x4000  }
0x10: {  	s13 =	ssub.s32 s10, s13;
	[sflag:s9] =	ssyncset.done $0x0  }
0x11: {  	s31 =	smax.u32 s13, $0x1;
	[sflag:s9] =	ssyncadd.s32 $0xFFFFC000  }
0x12: {  	p0 =	sne.s32 s31, $0x1;
	_ =	swait.ge [sflag:s9], $0x4000  }
.Ltmp0:
0x13: {  	s30 =	sshll.u32 s12, $0x4;
	[sflag:s9] =	ssyncset.done $0x0;
	(pc) =	sbr.rel @!p0 .LBB2_2-.Ltmp0, $4  }
0x14: {  	s10 =	sadd.s32 s11, s30;
	[sflag:s9] =	ssyncadd.s32 $0xFFFFC000  }
0x15: {  	[hbm4b:s10+s3] =	stream.linear.scatter [tilespmem:s7], [sflag:$0x2], $0x8000, $0x38;
	[tilespmem:$0x8100] =	vst v63  }
0x16: {  	_ =	swait.ge [sflag:s4], $0x8000  }
0x17: {  	s11 =	sadd.s32 $0xFFFFFFFF, s31;
	[sflag:s4] =	ssyncset.done $0x0  }
.LBB2_1:
0x18: {  	p0 =	sne.s32 s11, $0x1;
	s11 =	sadd.s32 $0xFFFFFFFF, s11;
	[sflag:s4] =	ssyncadd.s32 $0xFFFF8000  }
0x19: {  	[tilespmem:s3], [sflag:$0x2] =	stream.linear.gather [hbm4b:s5+s3], $0x100, $0x38;
	[tilespmem:$0x8100] =	vst v63  }
0x1a: {  	_ =	swait.ge [sflag:s4], $0x100  }
0x1b: {  	[sflag:s4] =	ssyncset.done $0x0  }
0x1c: {  	[sflag:s4] =	ssyncadd.s32 $0xFFFFFF00  }
0x1d: {  	[tilespmem:s7], [sflag:$0x1] =	stream.indirect.gather [hbm4b:s2+s6], $0x80, s3, s6, $0xb8;
	[tilespmem:$0x8100] =	vst v63  }
0x1e: {  	_ = 	snop  }
0x1f: {  	[tilespmem:s8], [sflag:$0x1] =	stream.indirect.gather [hbm4b:s2+s6], $0x80, s6, s6, $0xb8;
	[tilespmem:$0x8100] =	vst v63  }
0x20: {  	_ =	swait.ge [sflag:s9], $0x4000  }
0x21: {  	[sflag:s9] =	ssyncset.done $0x0  }
0x22: {  	[sflag:s9] =	ssyncadd.s32 $0xFFFFC000  }
0x23: {  	_ =	swait.ge [sflag:s9], $0x4000  }
.Ltmp1:
0x24: {  	[sflag:s9] =	ssyncset.done $0x0;
	(pc) =	sbr.rel @p0 .LBB2_1-.Ltmp1, $4  }
0x25: {  	[sflag:s9] =	ssyncadd.s32 $0xFFFFC000  }
0x26: {  	[hbm4b:s10+s3] =	stream.linear.scatter [tilespmem:s7], [sflag:$0x2], $0x8000, $0x38;
	[tilespmem:$0x8100] =	vst v63  }
0x27: {  	_ =	swait.ge [sflag:s4], $0x8000  }
0x28: {  	[sflag:s4] =	ssyncset.done $0x0  }
.LBB2_2:
0x29: {  	[sflag:s4] =	ssyncadd.s32 $0xFFFF8000  }
0x2a: {  	_ =	sfence.sel $0x180000  }
0x2b: {  	[bflag:$0x0] =	sbarrier.arrive $0xFFFF  }
0x2c: {  	p0 =	sne.s32 s0, $0x0;
	_ =	strace $0x90000047  }
0x2d: {  	s0 =	sadd.s32 @!p0 $0x100000, s1;
	[bflag:$0x2] =	sbarrier.arrive $0xFFFF  }
0x2e: {  	[sflag:s0] =	ssyncadd.tile.s32 @!p0 $0x1;
	_ =	shalt  }
.Lfunc_end2:
_tile_overlayer_lowered:
.L_overlay_start_2:
0x2f: {  	(tag) =	ssettag $0x2  }
0x30: {  	s0 =	rddreg [dreg:$0x0];
	s2 =	stileid.u32  }
0x31: {  	s1 =	rddreg [dreg:$0x1];
	p0 =	sne.s32 s2, $0x0  }
0x32: {  	s3 =	rddreg [dreg:$0x2];
	[bflag:$0x3] =	sbarrier.arrive $0xFFFF;
	s2 =	simm.s32 @!p0 $0x1C02  }
0x33: {  	[timem:s3], [sflag:s2] =	dma.local @!p0 [hbm:s0], s1  }
0x34: {  	s0 =	simm.s32 @!p0 $0x2  }
0x35: {  	_ =	swait.ge @!p0 [sflag:s0], s1  }
0x36: {  	s1 =	ssub.s32 @!p0 $0x0, s1;
	[sflag:s0] =	ssyncset.done @!p0 $0x0  }
0x37: {  	[sflag:s0] =	ssyncadd.s32 @!p0 s1  }
0x38: {  	[bflag:$0x3] =	sbarrier.arrive $0xFFFF  }
0x39: {  	_ =	shalt  }

</sc_bundles>
